<compile_context>
chip_gen: v7x
topology: tpu7x:2x2x1
jax: 0.10.2.dev20260603
libtpu: 0.0.44.dev20260713+nightly
codegen_flags: <defaults>
</compile_context>

<pallas_src>
import jax
import jax.numpy as jnp
from jax.experimental import pallas as pl

_INPUT_SIZE = 4
_N_CLASSES = 16
_HIDDEN = 100
_PAD_VALUE = -100.0
_PH = 8


def _mlp_kernel(x_ref, w1_ref, w2_ref, o_ref):
    nr = o_ref.shape[1]
    xt = jnp.transpose(x_ref[0])
    x11 = jnp.concatenate(
        [xt[:, 0:nr], xt[0:_INPUT_SIZE - 1, 1:nr + 1],
         jnp.ones((1, nr), jnp.float32)], axis=0)
    h = jnp.dot(w1_ref[:, :], x11, preferred_element_type=jnp.float32)
    h = jnp.maximum(h, 0.0)
    h = jnp.concatenate([h, jnp.ones((1, nr), jnp.float32)], axis=0)
    logits = jnp.dot(w2_ref[:, :], h, preferred_element_type=jnp.float32)
    lg = logits.reshape(_PH, _N_CLASSES, nr)
    m = jnp.max(lg, axis=1, keepdims=True)
    shifted = lg - m
    lse = jnp.log(jnp.sum(jnp.exp(shifted), axis=1, keepdims=True))
    res = (shifted - lse).reshape(_PH * _N_CLASSES, nr)
    o_ref[0, :, :] = jnp.transpose(res)


@jax.jit
def kernel(input_, W1, b1, W2, b2):
    B, T = input_.shape
    left = jnp.full((B, _INPUT_SIZE - 1), _PAD_VALUE, input_.dtype)
    right = jnp.zeros((B, 128 - (_INPUT_SIZE - 1)), input_.dtype)
    xp = jnp.concatenate([left, input_, right], axis=1)
    xp3 = xp.reshape(B, xp.shape[1] // _PH, _PH)

    ii = jnp.arange(_PH)
    jj = jnp.arange(_HIDDEN)
    kk = jnp.arange(_INPUT_SIZE)
    cc = jnp.arange(_N_CLASSES)
    w1s = jnp.zeros((_PH * _HIDDEN, _PH + _INPUT_SIZE), jnp.float32)
    w1s = w1s.at[
        ii[:, None, None] * _HIDDEN + jj[None, :, None],
        ii[:, None, None] + kk[None, None, :],
    ].set(jnp.transpose(W1)[None, :, :])
    w1s = w1s.at[:, -1].set(jnp.tile(b1, _PH))
    w2s = jnp.zeros((_PH * _N_CLASSES, _PH * _HIDDEN + 1), jnp.float32)
    w2s = w2s.at[
        ii[:, None, None] * _N_CLASSES + cc[None, None, :],
        ii[:, None, None] * _HIDDEN + jj[None, :, None],
    ].set(W2[None, :, :])
    w2s = w2s.at[:, -1].set(jnp.tile(b2, _PH))

    out = pl.pallas_call(
        _mlp_kernel,
        grid=(B,),
        in_specs=[
            pl.BlockSpec((1,) + xp3.shape[1:], lambda i: (i, 0, 0)),
            pl.BlockSpec(w1s.shape, lambda i: (0, 0)),
            pl.BlockSpec(w2s.shape, lambda i: (0, 0)),
        ],
        out_specs=pl.BlockSpec((1, T // _PH, _PH * _N_CLASSES),
                               lambda i: (i, 0, 0)),
        out_shape=jax.ShapeDtypeStruct((B, T // _PH, _PH * _N_CLASSES),
                                       jnp.float32),
    )(xp3, w1s, w2s)
    return out.reshape(B, T, _N_CLASSES)

# --- scband reference (transcript-rebuilt; emitter-appended) ---
"""Pipeline reference for scband-detector-33380485825013 (READ-ONLY COPY).

The authoritative reference and input builder live on the scoring server;
editing this copy changes nothing except your own understanding.
"""

import jax, jax.numpy as jnp
import numpy as np

INPUT_SIZE = 4
N_CLASSES = 16
HIDDEN = 100
START_PADDING_VALUE = -100.0


def setup_inputs(seed: int = 0) -> dict:
    key = jax.random.key(seed)
    k1, k2, k3 = jax.random.split(key, 3)
    input_ = jax.random.normal(k1, (128, 8192), dtype=jnp.float32)
    W1 = jax.random.normal(k2, (INPUT_SIZE, HIDDEN), dtype=jnp.float32) * 0.1
    b1 = jnp.zeros((HIDDEN,), dtype=jnp.float32)
    W2 = jax.random.normal(k3, (HIDDEN, N_CLASSES), dtype=jnp.float32) * 0.1
    b2 = jnp.zeros((N_CLASSES,), dtype=jnp.float32)
    return {"input_": input_, "W1": W1, "b1": b1, "W2": W2, "b2": b2}


def reference(input_, W1, b1, W2, b2):
    # Detector.forward with detector_method='ModelBased', phase='train':
    # builds sliding-window sequence input via pad+roll (gather), runs the
    # wrapped symbol-detector model (MLP + log_softmax priors), returns priors.
    B, T = input_.shape
    padded = jnp.pad(input_, ((0, 0), (0, INPUT_SIZE - 1)),
                     constant_values=START_PADDING_VALUE)
    # torch.cat([roll(padded.unsqueeze(1), i, 2) for i in range(input_size-1,-1,-1)], dim=1)
    # then transpose(1,2)[:, :T]  ->  stack rolls on last axis and slice time.
    rolls = [jnp.roll(padded, i, axis=1) for i in range(INPUT_SIZE - 1, -1, -1)]
    sequence_input = jnp.stack(rolls, axis=2)[:, :T, :]  # [B, T, INPUT_SIZE]
    flat = sequence_input.reshape(-1, INPUT_SIZE)
    h = jax.nn.relu(flat @ W1 + b1)
    logits = h @ W2 + b2
    priors = jax.nn.log_softmax(logits, axis=-1).reshape(B, T, N_CLASSES)
    return priors

if __name__ == "__main__":
    import jax
    _d = setup_inputs()
    print(jax.jit(kernel)(*tuple(_d.values())))

</pallas_src>

<mosaic_0001>
module attributes {stable_mosaic.version = 14 : i64} {
  func.func @_mlp_kernel(%arg0: i32, %arg1: memref<1x1040x8xf32, #tpu.memory_space<vmem>>, %arg2: memref<800x12xf32, #tpu.memory_space<vmem>>, %arg3: memref<128x801xf32, #tpu.memory_space<vmem>>, %arg4: memref<1x1024x128xf32, #tpu.memory_space<vmem>>) attributes {dimension_semantics = [#tpu.dimension_semantics<arbitrary>], iteration_bounds = array<i64: 128>, scalar_prefetch = 0 : i64, scratch_operands = 0 : i64, tpu.core_type = #tpu.core_type<tc>, window_params = [{transform_indices = @transform_0, window_bounds = array<i64: 1, 1040, 8>}, {pipeline_mode = #tpu.pipeline_mode<synchronous>, transform_indices = @transform_1, window_bounds = array<i64: 800, 12>}, {pipeline_mode = #tpu.pipeline_mode<synchronous>, transform_indices = @transform_2, window_bounds = array<i64: 128, 801>}, {transform_indices = @transform_3, window_bounds = array<i64: 1, 1024, 128>}]} {
    %get3A = arith.constant 0 : index
    %get3A_0 = arith.constant 0 : index
    %get3A_1 = arith.constant 0 : index
    %get3A_2 = vector.load %arg1[%get3A, %get3A_0, %get3A_1] : memref<1x1040x8xf32, #tpu.memory_space<vmem>>, vector<1x1040x8xf32>
    %get3A_3 = vector.shape_cast %get3A_2 : vector<1x1040x8xf32> to vector<1040x8xf32>
    %transpose3A = tpu.transpose %get3A_3, [1, 0] : vector<1040x8xf32> -> vector<8x1040xf32>
    %slice3A = vector.extract_strided_slice %transpose3A {offsets = [0, 0], sizes = [8, 1024], strides = [1, 1]} : vector<8x1040xf32> to vector<8x1024xf32>
    %slice3A_4 = vector.extract_strided_slice %transpose3A {offsets = [0, 1], sizes = [3, 1024], strides = [1, 1]} : vector<8x1040xf32> to vector<3x1024xf32>
    %broadcast_in_dim3A = arith.constant 1.000000e+00 : f32
    %broadcast_in_dim3A_5 = vector.broadcast %broadcast_in_dim3A : f32 to vector<1x1024xf32>
    %concatenate3A = tpu.concatenate %slice3A, %slice3A_4, %broadcast_in_dim3A_5 in 0 : vector<8x1024xf32>, vector<3x1024xf32>, vector<1x1024xf32> -> vector<12x1024xf32>
    %get3A_6 = arith.constant 0 : index
    %get3A_7 = arith.constant 0 : index
    %get3A_8 = vector.load %arg2[%get3A_6, %get3A_7] : memref<800x12xf32, #tpu.memory_space<vmem>>, vector<800x12xf32>
    %dot_general3A = arith.constant dense<0.000000e+00> : vector<800x1024xf32>
    %dot_general3A_9 = tpu.matmul %get3A_8, %concatenate3A, %dot_general3A {dimension_numbers = #tpu.dot_dimension_numbers<[1], [0], [0], [1], [0, 0, 1, 1], [], []>, transpose_lhs_hint = false} : vector<800x12xf32>, vector<12x1024xf32>, vector<800x1024xf32> -> vector<800x1024xf32>
    %max3A = arith.constant 0.000000e+00 : f32
    %max3A_10 = vector.broadcast %max3A : f32 to vector<800x1024xf32>
    %max3A_11 = arith.maximumf %dot_general3A_9, %max3A_10 : vector<800x1024xf32>
    %broadcast_in_dim3A_12 = arith.constant 1.000000e+00 : f32
    %broadcast_in_dim3A_13 = vector.broadcast %broadcast_in_dim3A_12 : f32 to vector<1x1024xf32>
    %concatenate3A_14 = tpu.concatenate %max3A_11, %broadcast_in_dim3A_13 in 0 : vector<800x1024xf32>, vector<1x1024xf32> -> vector<801x1024xf32>
    %get3A_15 = arith.constant 0 : index
    %get3A_16 = arith.constant 0 : index
    %get3A_17 = vector.load %arg3[%get3A_15, %get3A_16] : memref<128x801xf32, #tpu.memory_space<vmem>>, vector<128x801xf32>
    %dot_general3A_18 = arith.constant dense<0.000000e+00> : vector<128x1024xf32>
    %dot_general3A_19 = tpu.matmul %get3A_17, %concatenate3A_14, %dot_general3A_18 {dimension_numbers = #tpu.dot_dimension_numbers<[1], [0], [0], [1], [0, 0, 1, 1], [], []>, transpose_lhs_hint = false} : vector<128x801xf32>, vector<801x1024xf32>, vector<128x1024xf32> -> vector<128x1024xf32>
    %reshape3A = vector.shape_cast %dot_general3A_19 : vector<128x1024xf32> to vector<8x16x1024xf32>
    %reduce_max3A = arith.constant dense<0xFF800000> : vector<8x1024xf32>
    %reduce_max3A_20 = vector.multi_reduction <maximumf>, %reshape3A, %reduce_max3A [1] : vector<8x16x1024xf32> to vector<8x1024xf32>
    %broadcast_in_dim3A_21 = vector.shape_cast %reduce_max3A_20 : vector<8x1024xf32> to vector<8x1x1024xf32>
    %sub3A = vector.broadcast %broadcast_in_dim3A_21 : vector<8x1x1024xf32> to vector<8x16x1024xf32>
    %sub3A_22 = arith.subf %reshape3A, %sub3A : vector<8x16x1024xf32>
    %exp3A = math.exp %sub3A_22 : vector<8x16x1024xf32>
    %reduce_sum3A = arith.constant dense<0.000000e+00> : vector<8x1024xf32>
    %reduce_sum3A_23 = vector.multi_reduction <add>, %exp3A, %reduce_sum3A [1] : vector<8x16x1024xf32> to vector<8x1024xf32>
    %broadcast_in_dim3A_24 = vector.shape_cast %reduce_sum3A_23 : vector<8x1024xf32> to vector<8x1x1024xf32>
    %log3A = math.log %broadcast_in_dim3A_24 : vector<8x1x1024xf32>
    %sub3A_25 = vector.broadcast %log3A : vector<8x1x1024xf32> to vector<8x16x1024xf32>
    %sub3A_26 = arith.subf %sub3A_22, %sub3A_25 : vector<8x16x1024xf32>
    %reshape3A_27 = vector.shape_cast %sub3A_26 : vector<8x16x1024xf32> to vector<128x1024xf32>
    %transpose3A_28 = tpu.transpose %reshape3A_27, [1, 0] : vector<128x1024xf32> -> vector<1024x128xf32>
    %swap3A = arith.constant 0 : index
    %swap3A_29 = arith.constant 0 : index
    %swap3A_30 = arith.constant 0 : index
    %swap3A_31 = vector.load %arg4[%swap3A, %swap3A_29, %swap3A_30] : memref<1x1024x128xf32, #tpu.memory_space<vmem>>, vector<1x1024x128xf32>
    %swap3A_32 = vector.shape_cast %swap3A_31 : vector<1x1024x128xf32> to vector<1024x128xf32>
    %swap3A_33 = vector.shape_cast %transpose3A_28 : vector<1024x128xf32> to vector<1x1024x128xf32>
    tpu.vector_store %arg4[%swap3A, %swap3A_29, %swap3A_30], %swap3A_33 {strides = array<i32>} : memref<1x1024x128xf32, #tpu.memory_space<vmem>>, vector<1x1024x128xf32>,
    return
  }
  func.func @transform_0(%arg0: i32) -> (i32, i32, i32) {
    %c0_i32 = arith.constant 0 : i32
    %c0_i32_0 = arith.constant 0 : i32
    %c0_i32_1 = arith.constant 0 : i32
    return %arg0, %c0_i32, %c0_i32_0 : i32, i32, i32
  }
  func.func @transform_1(%arg0: i32) -> (i32, i32) {
    %c0_i32 = arith.constant 0 : i32
    %c0_i32_0 = arith.constant 0 : i32
    %c0_i32_1 = arith.constant 0 : i32
    return %c0_i32, %c0_i32_0 : i32, i32
  }
  func.func @transform_2(%arg0: i32) -> (i32, i32) {
    %c0_i32 = arith.constant 0 : i32
    %c0_i32_0 = arith.constant 0 : i32
    %c0_i32_1 = arith.constant 0 : i32
    return %c0_i32, %c0_i32_0 : i32, i32
  }
  func.func @transform_3(%arg0: i32) -> (i32, i32, i32) {
    %c0_i32 = arith.constant 0 : i32
    %c0_i32_0 = arith.constant 0 : i32
    %c0_i32_1 = arith.constant 0 : i32
    return %arg0, %c0_i32, %c0_i32_0 : i32, i32, i32
  }
}

</mosaic_0001>

<sc_bundles>
// kernel: sparse-core-data-format-call.cloned.1.call-start
scs
called_computation_lowered:
.L_overlay_start_0:
0x0: {  	s2 =	sld [smem:$0x3FD9]  }
0x1: {  	s3 =	sld [smem:$0x3FFE];
	_ =	sdelay $0x1  }
0x2: {  	s1 =	srdreg.scid  }
0x3: {  	s0 =	sand.u32 $0x1, s1  }
0x4: {  	s18 =	sshll.u32 s0, $0xA;
	s2 =	sadd.s32 s3, s2  }
0x5: {  	s2 =	sadd.s32 s2, s18  }
0x6: {  	[smem:$0x3FC3] =	sst s2  }
0x7: {  	_ = 	snop  }
0x8: {  	s2 =	sld [smem:$0x3FD0];
	(tm) =	ssettm $0x1  }
0x9: {  	s19 =	sld [smem:$0x3FFB];
	_ =	sdelay $0x3  }
0xa: {  	_ =	strace s19  }
0xb: {  	s3 =	sld [smem:$0x3FFC];
	_ =	sdelay $0x3  }
0xc: {  	_ =	strace s3  }
0xd: {  	s3 =	sld [smem:$0x3FFD];
	_ =	sdelay $0x3  }
0xe: {  	_ =	strace s3  }
0xf: {  	_ =	strace $0x8FFFFFFF  }
0x10: {  	s20 =	sld [smem:$0x3FDB];
	_ =	sdelay $0x1  }
0x11: {  	s4 =	simm.s32 $_scs_section_size  }
0x12: {  	s5 =	simm.s32 $_size__tile_overlayer_lowered;
	s6 =	simm.s32 $_tile_overlayer_lowered  }
0x13: {  	s23 =	simm.s32 $0x1BFF;
	s22 =	sshll.u32 s6, $0x1;
	s3 =	sadd.s32 s4, s20  }
0x14: {  	s7 =	simm.s32 $0x0;
	s21 =	sshll.u32 s5, $0x1;
	s5 =	sadd.s32 s22, s3  }
0x15: {  	[timem:s7], [sflag:s23] =	dma.local [hbm:s5], s21  }
0x16: {  	_ =	swait.ge [sflag:s23], s21  }
0x17: {  	s4 =	ssub.s32 $0x0, s21;
	[sflag:s23] =	ssyncset.done $0x0  }
0x18: {  	[sflag:s23] =	ssyncadd.s32 s4;
	_ =	sdelay $0x1  }
0x19: {  	s24 =	simm.s32 $0x1B8B  }
0x1a: {  	_ =	swait.ge [sflag:s24], $0x1  }
0x1b: {  	[sflag:s24] =	ssyncset.done $0x0  }
0x1c: {  	s26 =	simm.s32 $0x1B8E;
	s25 =	sld [smem:$0x3FFE];
	[sflag:s24] =	ssyncadd.s32 $0xFFFFFFFF  }
0x1d: {  	s27 =	simm.s32 $execute0_lowered;
	[smem:$0x3FD2] =	sst s26  }
0x1e: {  	s5 =	sshll.u32 s27, $0x1;
	_ =	strace $0x80000046;
	[dreg:$0x1] =	wrdreg $0xFFFFFFFF  }
0x1f: {  	s28 =	simm.s32 $_size_execute0_lowered;
	s3 =	sadd.s32 s3, s5;
	[dreg:$0x0] =	wrdreg $0x0  }
0x20: {  	s5 =	sshll.u32 s28, $0x1;
	[dreg:$0x2] =	wrdreg s3  }
0x21: {  	[dreg:$0x3] =	wrdreg s5  }
0x22: {  	[dreg:$0x4] =	wrdreg $0xC0  }
0x23: {  	_ =	task [dreg:s7], $0x5FFFF  }
0x24: {  	[dreg:$0x1] =	wrdreg $0xFFFFFFFF  }
0x25: {  	[dreg:$0x0] =	wrdreg $0x60  }
0x26: {  	[dreg:$0x2] =	wrdreg s25  }
0x27: {  	[dreg:$0x3] =	wrdreg s2  }
0x28: {  	[dreg:$0x4] =	wrdreg $0x9  }
0x29: {  	_ =	task.clear_ibuf [dreg:s7], $0x5FFFF;
	_ =	strace $0x90000046  }
0x2a: {  	s29 =	simm.s32 $0x9;
	_ =	strace $0x80000048  }
0x2b: {  	_ =	swait.ge [sflag:s29], $0x1  }
0x2c: {  	[sflag:s29] =	ssyncadd.s32 $0xFFFFFFFF  }
0x2d: {  	_ =	strace $0x90000048  }
0x2e: {  	_ =	sfence  }
0x2f: {  	s30 =	sld [smem:$0x0];
	_ =	sdelay $0x2  }
0x30: {  	s31 =	sshll.u32 s1, $0xD;
	s1 =	sshrl.u32 s1, $0x2  }
0x31: {  	s3 =	sand.u32 $0x4000, s31;
	s1 =	sadd.s32 s1, s30  }
0x32: {  	s0 =	sor.u32 s3, s0;
	s1 =	sshll.u32 s1, $0x11  }
0x33: {  	s0 =	sor.u32 s1, s0  }
0x34: {  	s0 =	sadd.s32 $0x8F2B, s0  }
0x35: {  	[sflag:s0] =	ssyncadd.remote.s32 $0x1  }
0x36: {  	_ =	sfence.sel $0xFFFF  }
0x37: {  	[dreg:$0x0] =	wrdreg $0xFFFFFFFF;
	(pc) =	sbr.abs _section_cstart, $3  }
0x38: {  	[dreg:$0x1] =	wrdreg $0xFFFFFFFF  }
0x39: {  	_ =	task.clear_ibuf [dreg:s7], $0x2FFFF;
	_ =	strace $0x9FFFFFFF  }
0x3a: {  	(tm) =	ssettm $0x7FFFFFFF  }
0x3b: {  	_ =	shalt  }
tec
execute0_lowered:
.L_overlay_start_1:
0x0: {  	(tag) =	ssettag $0x1  }
0x1: {  	s0 =	srdreg.scid  }
0x2: {  	s1 =	sshll.u32 s0, $0x4  }
0x3: {  	s3 =	rddreg [dreg:$0x0];
	s0 =	stileid.u32;
	s1 =	sand.u32 $0x10, s1  }
0x4: {  	s4 =	rddreg [dreg:$0x1];
	s1 =	sor.u32 s0, s1  }
0x5: {  	s6 =	simm.s32 $0x1;
	s31 =	simm.s32 $0x2;
	s2 =	sshll.u32 s1, $0x7  }
0x6: {  	s13 =	simm.s32 $0x0;
	s8 =	simm.s32 $0x20000;
	s5 =	ssub.s32 $0x2000, s2  }
0x7: {  	s12 =	simm.s32 $0x0;
	s9 =	simm.s32 $0x0;
	s30 =	sand.u32 $0xF80, s5  }
.Ltmp0:
0x8: {  	s11 =	simm.s32 $0x0;
	p0 =	sne.s32 s30, $0x0;
	(pc) =	sbr.rel .LBB1_1-.Ltmp0, $4  }
0x9: {  	s1 =	rddreg [dreg:$0x2];
	s7 =	sshrl.u32 s5, $0xC;
	s6 =	simm.s32 @!p0 $0x0  }
0xa: {  	_ =	strace $0x80000047;
	s5 =	simm.s32 $0x1;
	s6 =	sadd.s32 s6, s7  }
0xb: {  	s10 =	smov.u32 s2;
	[sflag:s5] =	ssyncpa.u1 $0x0;
	s6 =	sshll.u32 s6, $0x4  }
0xc: {  	[sflag:s31] =	ssyncpa.u1 $0x0;
	p0 =	por $0x0, $0x0;
	s7 =	sor.u32 $0x1, s6  }
.LBB1_4:
0xd: {  	v5 =	vld [tilespmem:s16+$0xFFFFFFD0];
	[tilespmem:s17+$0x2040 ss:$0x81] =	vst.msk $0xffff, v1  }
0xe: {  	v58 =	vld [tilespmem:s16+$0xFFFFFFE0];
	[tilespmem:s17+$0x2850 ss:$0x81] =	vst.msk $0xffff, v2  }
0xf: {  	s18 =	sshra.s32 s18, $0x2;
	v59 =	vld [tilespmem:s16+$0xFFFFFFF0];
	[tilespmem:s17+$0x3060 ss:$0x81] =	vst.msk $0xffff, v3  }
0x10: {  	v60 =	vld [tilespmem:s16+$0x0];
	[tilespmem:s17+$0x0 ss:$0x81] =	vst.msk $0xffff, v0;
	s15 =	sadd.s32 s18, s15  }
0x11: {  	v61 =	vld [tilespmem:s16+$0x10];
	s26 =	sshll.u32 s13, $0xD;
	[tilespmem:s15+$0x3870 ss:$0x81] =	vst.msk $0xffff, v4  }
0x12: {  	v62 =	vld [tilespmem:s16+$0x20];
	s27 =	sand.u32 $0x78, s12;
	s19 =	sshll.u32 s12, $0x3;
	s29 =	sshll.u32 s13, $0x7;
	[tilespmem:s15+$0x810 ss:$0x81] =	vst.msk $0xffff, v5  }
0x13: {  	v63 =	vld [tilespmem:s16+$0xFFFFFFC0];
	s17 =	sand.u32 $0x10000, s26;
	s28 =	sand.u32 $0x1FC00, s19;
	s19 =	sand.u32 $0x1C00, s19;
	[tilespmem:s15+$0x1020 ss:$0x81] =	vst.msk $0xffff, v58  }
0x14: {  	s13 =	sand.u32 $0x380, s29;
	s16 =	sadd.s32 s28, s17;
	s30 =	sor.u32 s27, s19;
	[tilespmem:s15+$0x1830 ss:$0x81] =	vst.msk $0xffff, v59  }
0x15: {  	s16 =	sand.u32 $0x1E000, s16;
	s13 =	sor.u32 s13, s30;
	[tilespmem:s15+$0x2040 ss:$0x81] =	vst.msk $0xffff, v60  }
0x16: {  	s31 =	sand.u32 $0x7, s12;
	s13 =	sor.u32 s16, s13;
	[tilespmem:s15+$0x2850 ss:$0x81] =	vst.msk $0xffff, v61  }
0x17: {  	s12 =	sshll.u32 s31, $0x12;
	[tilespmem:s15+$0x3060 ss:$0x81] =	vst.msk $0xffff, v62;
	s13 =	sshrl.u32 s13, $0x3  }
0x18: {  	s12 =	sor.u32 $0x80, s12;
	[tilespmem:s15+$0x0 ss:$0x81] =	vst.msk $0xffff, v63;
	s13 =	sadd.s32 s4, s13  }
0x19: {  	[hbm4b:s13+s12] =	stream.strided.scatter [tilespmem:s14], [sflag:$0x2], $0x4000, s8, s12, $0x20;
	[tilespmem:$0x10100] =	vst v63  }
.LBB1_5:
0x1a: {  	s14 =	sadd.s32 $0x1, s9  }
0x1b: {  	s12 =	sadd.s32 $0x1000, s10;
	s16 =	smov.u32 s10;
	p2 =	sgt.s32 s14, $0xF  }
0x1c: {  	s16 =	smov.u32 @p2 s12  }
0x1d: {  	s14 =	simm.s32 @p2 $0x0;
	p2 =	sgt.s32 s16, $0x1FFF  }
0x1e: {  	s16 =	smov.u32 @p2 s2;
	p2 =	sne.s32 s11, s7  }
.Ltmp1:
0x1f: {  	p1 =	slt.u32 s11, $0x2;
	(pc) =	sbr.rel @!p2 .LBB1_6-.Ltmp1, $4  }
0x20: {  	s15 =	simm.s32 @!p1 $0x2  }
0x21: {  	s13 =	smov.u32 s9;
	p0 =	por !p0, !p0;
	_ =	swait.ge @!p1 [sflag:s15], $0x4000  }
0x22: {  	s12 =	smov.u32 s10;
	[sflag:s15] =	ssyncset.done @!p1 $0x0;
	s9 =	smov.u32 s14  }
0x23: {  	s11 =	sadd.s32 $0x1, s11;
	[sflag:s15] =	ssyncadd.s32 @!p1 $0xFFFFC000;
	s10 =	smov.u32 s16  }
.LBB1_1:
0x24: {  	p1 =	sge.u32 s11, s6  }
0x25: {  	s31 =	sadd.s32 $0xFFFFFFFF, s11;
	s14 =	sxor.u32 @!p1 $0xFFFFFFFF, s11  }
0x26: {  	s15 =	sshll.u32 @!p1 s10, $0x8;
	s16 =	sshll.u32 @!p1 s9, $0x4;
	s17 =	simm.s32 @!p1 $0x800  }
0x27: {  	s14 =	sshll.u32 @!p1 s14, $0xE;
	s16 =	sand.u32 @!p1 $0xF0, s16;
	s15 =	sadd.s32 @!p1 s3, s15  }
0x28: {  	s14 =	sand.u32 @!p1 $0x4000, s14;
	s15 =	sadd.s32 @!p1 s16, s15;
	s16 =	simm.s32 @!p1 $0x80  }
0x29: {  	[tilespmem:s14], [sflag:$0x1] =	stream.strided.gather @!p1 [hbm4b:s15+s16], $0x4000, s17, s16, $0x38;
	[tilespmem:$0x10100] =	vst v63  }
0x2a: {  	p1 =	sge.u32 s31, s6  }
.Ltmp2:
0x2b: {  	_ = 	snop;
	(pc) =	sbr.rel @p1 .LBB1_5-.Ltmp2, $1  }
0x2c: {  	_ =	sdelay $0x3  }
0x2d: {  	s14 =	simm.s32 $0x1  }
0x2e: {  	_ =	swait.ge [sflag:s5], $0x4000;
	s14 =	simm.s32 @!p0 $0x0  }
0x2f: {  	[sflag:s5] =	ssyncset.done $0x0;
	s15 =	sshll.u32 s14, $0xE  }
0x30: {  	[sflag:s5] =	ssyncadd.s32 $0xFFFFC000;
	s16 =	sor.u32 $0x40, s15  }
0x31: {  	s14 =	smul.u32 $0x10200, s14;
	v0 =	vld [tilespmem:s16+$0x30]  }
0x32: {  	v3 =	vld [tilespmem:s16+$0xFFFFFFD0]  }
0x33: {  	s14 =	sshrl.u32 s14, $0x2;
	v4 =	vld [tilespmem:s16+$0xFFFFFFE0]  }
0x34: {  	v5 =	vld [tilespmem:s16+$0xFFFFFFF0];
	s15 =	sor.u32 $0x8000, s14  }
0x35: {  	s31 =	sand.u32 $0x1, s11;
	v1 =	vld [tilespmem:s16+$0x0];
	s17 =	sadd.s32 $0x0, s15  }
0x36: {  	v2 =	vld [tilespmem:s16+$0x10];
	s14 =	smul.u32 $0x10200, s31;
	[tilespmem:s17+$0x3870 ss:$0x81] =	vst.msk $0xffff, v0  }
0x37: {  	[tilespmem:s17+$0x810 ss:$0x81] =	vst.msk $0xffff, v3;
	v3 =	vld [tilespmem:s16+$0x20]  }
0x38: {  	s14 =	sshrl.u32 s14, $0x2;
	v0 =	vld [tilespmem:s16+$0xFFFFFFC0];
	[tilespmem:s17+$0x1020 ss:$0x81] =	vst.msk $0xffff, v4;
	s16 =	sadd.s32 $0x80, s16  }
0x39: {  	s18 =	simm.s32 $0x4;
	s19 =	simm.s32 $0x8;
	s14 =	sor.u32 $0x8000, s14;
	[tilespmem:s17+$0x1830 ss:$0x81] =	vst.msk $0xffff, v5;
	v4 =	vld [tilespmem:s16+$0x30]  }
.LBB1_3:
0x3a: {  	p1 =	sne.s32 s19, $0x1FC;
	v5 =	vld [tilespmem:s16+$0xFFFFFFD0];
	[tilespmem:s17+$0x2040 ss:$0x81] =	vst.msk $0xffff, v1  }
0x3b: {  	v6 =	vld [tilespmem:s16+$0xFFFFFFE0];
	[tilespmem:s17+$0x2850 ss:$0x81] =	vst.msk $0xffff, v2  }
0x3c: {  	s20 =	sshra.s32 s18, $0x2;
	s18 =	smov.u32 s19;
	v7 =	vld [tilespmem:s16+$0xFFFFFFF0];
	[tilespmem:s17+$0x3060 ss:$0x81] =	vst.msk $0xffff, v3  }
.Ltmp3:
0x3d: {  	v1 =	vld [tilespmem:s16+$0x0];
	[tilespmem:s17+$0x0 ss:$0x81] =	vst.msk $0xffff, v0;
	s17 =	sadd.s32 s20, s15;
	(pc) =	sbr.rel @p1 .LBB1_3-.Ltmp3, $4  }
0x3e: {  	v2 =	vld [tilespmem:s16+$0x10];
	[tilespmem:s17+$0x3870 ss:$0x81] =	vst.msk $0xffff, v4  }
0x3f: {  	[tilespmem:s17+$0x810 ss:$0x81] =	vst.msk $0xffff, v5;
	v3 =	vld [tilespmem:s16+$0x20]  }
0x40: {  	v0 =	vld [tilespmem:s16+$0xFFFFFFC0];
	[tilespmem:s17+$0x1020 ss:$0x81] =	vst.msk $0xffff, v6;
	s16 =	sadd.s32 $0x80, s16  }
0x41: {  	s19 =	sadd.s32 $0x4, s19;
	v4 =	vld [tilespmem:s16+$0x30];
	[tilespmem:s17+$0x1830 ss:$0x81] =	vst.msk $0xffff, v7  }
.Ltmp4:
0x42: {  	_ = 	snop;
	(pc) =	sbr.rel .LBB1_4-.Ltmp4, $1  }
0x43: {  	_ =	sdelay $0x3  }
.LBB1_6:
0x44: {  	_ =	sfence.sel $0x180000  }
0x45: {  	s2 =	simm.s32 $0x1;
	[bflag:$0x0] =	sbarrier.arrive $0xFFFF  }
0x46: {  	s31 =	simm.s32 $0x2;
	[sflag:s2] =	ssyncpa.u1 $0x1  }
0x47: {  	[sflag:s31] =	ssyncpa.u1 $0x1  }
0x48: {  	p0 =	sne.s32 s0, $0x0;
	_ =	strace $0x90000047  }
0x49: {  	s0 =	sadd.s32 @!p0 $0x100000, s1;
	[bflag:$0x2] =	sbarrier.arrive $0xFFFF  }
0x4a: {  	[sflag:s0] =	ssyncadd.tile.s32 @!p0 $0x1;
	_ =	shalt  }
.Lfunc_end1:
_tile_overlayer_lowered:
.L_overlay_start_2:
0x4b: {  	(tag) =	ssettag $0x2  }
0x4c: {  	s0 =	rddreg [dreg:$0x0];
	s2 =	stileid.u32  }
0x4d: {  	s1 =	rddreg [dreg:$0x1];
	p0 =	sne.s32 s2, $0x0  }
0x4e: {  	s3 =	rddreg [dreg:$0x2];
	[bflag:$0x3] =	sbarrier.arrive $0xFFFF;
	s2 =	simm.s32 @!p0 $0x1C01  }
0x4f: {  	[timem:s3], [sflag:s2] =	dma.local @!p0 [hbm:s0], s1  }
0x50: {  	s0 =	simm.s32 @!p0 $0x1  }
0x51: {  	_ =	swait.ge @!p0 [sflag:s0], s1  }
0x52: {  	s1 =	ssub.s32 @!p0 $0x0, s1;
	[sflag:s0] =	ssyncset.done @!p0 $0x0  }
0x53: {  	[sflag:s0] =	ssyncadd.s32 @!p0 s1  }
0x54: {  	[bflag:$0x3] =	sbarrier.arrive $0xFFFF  }
0x55: {  	_ =	shalt  }

</sc_bundles>
